<compile_context>
chip_gen: v7x
topology: tpu7x:2x2x1
jax: 0.10.2.dev20260603
libtpu: 0.0.44.dev20260713+nightly
codegen_flags: <defaults>
</compile_context>

<pallas_src>
import functools

import jax
import jax.numpy as jnp
from jax import lax
from jax.experimental import pallas as pl
from jax.experimental.pallas import tpu as pltpu, tpu_sc as plsc

_GAMMA = 0.1

_ROWS, _LANES = 12500, 16
_NW = 32
_BIG = 392
_NBIG = 31
_SMALL = 348


def _scale_chunk(v_hbm, o_hbm, buf, base, rows):
    pltpu.sync_copy(v_hbm.at[pl.ds(base, rows)], buf.at[pl.ds(0, rows)])

    def body(i, _):
        buf[i] = buf[i] * (-_GAMMA)
        return 0

    lax.fori_loop(0, rows, body, 0)
    pltpu.sync_copy(buf.at[pl.ds(0, rows)], o_hbm.at[pl.ds(base, rows)])


@functools.partial(
    pl.kernel,
    mesh=plsc.VectorSubcoreMesh(core_axis_name="c", subcore_axis_name="s"),
    out_type=jax.ShapeDtypeStruct((_ROWS, _LANES), jnp.float32),
    scratch_types=[pltpu.VMEM((_BIG, _LANES), jnp.float32)],
    compiler_params=pltpu.CompilerParams(use_tc_tiling_on_sc=False),
)
def _damp_sc(v_hbm, o_hbm, buf):
    wid = lax.axis_index("s") * 2 + lax.axis_index("c")
    base = pl.multiple_of(wid * _BIG, 8)

    @pl.when(wid < _NBIG)
    def _():
        _scale_chunk(v_hbm, o_hbm, buf, base, _BIG)

    @pl.when(wid >= _NBIG)
    def _():
        _scale_chunk(v_hbm, o_hbm, buf, base, _SMALL)


def kernel(x, v, edge_index):
    n = v.shape[0]
    o = _damp_sc(v.reshape(_ROWS, _LANES))
    return o.reshape(n, 2)

# --- scband reference (transcript-rebuilt; emitter-appended) ---
"""Pipeline reference for scband-interaction-module-77936476554069 (READ-ONLY COPY).

The authoritative reference and input builder live on the scoring server;
editing this copy changes nothing except your own understanding.
"""

import jax, jax.numpy as jnp
import numpy as np

N = 100000
E = 6400000
GAMMA = 0.1
PERIODIC = jnp.array([1.0, 1.0], dtype=jnp.float32)


def setup_inputs(seed: int = 0) -> dict:
    key = jax.random.key(seed)
    k1, k2, k3 = jax.random.split(key, 3)
    x = jax.random.uniform(k1, (N, 2), dtype=jnp.float32)
    v = jax.random.normal(k2, (N, 2), dtype=jnp.float32)
    edge_index = jax.random.randint(k3, (2, E), 0, N, dtype=jnp.int32)
    return {"x": x, "v": v, "edge_index": edge_index}


def reference(x, v, edge_index):
    # DGL update_all(calc_message, fn.sum(m -> a)) translated to gather + segment_sum.
    src = edge_index[0]
    dst = edge_index[1]
    # euclidDistance_periodic: minimum-image displacement dst - src
    dr = x[dst] - x[src]
    dr = jnp.remainder(dr + PERIODIC / 2.0, PERIODIC) - PERIODIC / 2.0
    # torch.norm(dr, dim=-1, keepdim=True) with safe sqrt (matches torch subgradient at 0)
    sq = jnp.sum(dr * dr, axis=-1, keepdims=True)
    abs_dr = jnp.sqrt(jnp.maximum(sq, 1e-24))
    # F.normalize(dr, dim=-1): dr / max(||dr||, eps)
    unit_dr = dr / jnp.maximum(abs_dr, 1e-12)
    # zeroPotential.force(abs_dr) = abs_dr * 0
    m = (abs_dr * 0.0) * unit_dr
    # fn.sum(message -> acceleration): scatter-add messages to destination nodes
    a = jax.ops.segment_sum(m, dst, num_segments=N)
    # damping term
    a = a - GAMMA * v
    return a

if __name__ == "__main__":
    import jax
    _d = setup_inputs()
    print(jax.jit(kernel)(*tuple(_d.values())))

</pallas_src>

<mosaic_0001>
#map = affine_map<(d0, d1) -> (0, 0)>
module attributes {stable_mosaic.version = 14 : i64} {
  func.func @_damp_sc(%arg0: i32, %arg1: i32, %arg2: memref<12500x16xf32, #tpu.memory_space<hbm>>, %arg3: memref<12500x16xf32, #tpu.memory_space<hbm>>, %arg4: memref<392x16xf32, #tpu.memory_space<vmem>>) attributes {dimension_semantics = [#tpu.dimension_semantics<core_parallel>, #tpu.dimension_semantics<subcore_parallel>], iteration_bounds = array<i64: 2, 16>, scalar_prefetch = 0 : i64, scratch_operands = 1 : i64, tpu.core_type = #tpu.core_type<sc_vector_subcore>, window_params = [{transform_indices = #map}, {transform_indices = #map}]} {
    %mul3A = arith.constant 2 : i32
    %mul3A_0 = arith.muli %arg1, %mul3A : i32
    %add3A = arith.addi %mul3A_0, %arg0 : i32
    %mul3A_1 = arith.constant 392 : i32
    %mul3A_2 = arith.muli %add3A, %mul3A_1 : i32
    %multiple_of3A = tpu.assume_multiple %mul3A_2, 8 : i32
    %lt3A = arith.constant 31 : i32
    %lt3A_3 = arith.cmpi slt, %add3A, %lt3A : i32
    %convert_element_type3A = arith.extui %lt3A_3 : i1 to i32
    %cond3A = arith.constant 0 : i32
    %cond3A_4 = arith.cmpi ne, %convert_element_type3A, %cond3A : i32
    scf.if %cond3A_4 {
      "tpu.region"() ({
        %run_scoped3A = tpu.sem_alloc : memref<!tpu.dma_semaphore, #tpu.memory_space<semaphore_mem>>
        %dma_start3A = arith.constant 0 : i32
        %dma_start3A_15 = arith.constant 0 : i32
        %dma_start3A_16 = tpu.memref_slice %arg4[%dma_start3A, %dma_start3A_15] : memref<392x16xf32, #tpu.memory_space<vmem>> -> memref<392x16xf32, #tpu.memory_space<vmem>>
        %dma_start3A_17 = arith.constant 0 : i32
        %dma_start3A_18 = tpu.memref_slice %arg2[%multiple_of3A, %dma_start3A_17] : memref<12500x16xf32, #tpu.memory_space<hbm>> -> memref<392x16xf32, #tpu.memory_space<hbm>>
        %dma_start3A_19 = arith.constant 0 : i32
        %dma_start3A_20 = arith.constant 0 : i32
        %dma_start3A_21 = tpu.memref_slice %arg4[%dma_start3A_19, %dma_start3A_20] : memref<392x16xf32, #tpu.memory_space<vmem>> -> memref<392x16xf32, #tpu.memory_space<vmem>>
        %dma_start3A_22 = arith.constant 0 : i32
        %dma_start3A_23 = tpu.memref_slice %arg2[%multiple_of3A, %dma_start3A_22] : memref<12500x16xf32, #tpu.memory_space<hbm>> -> memref<392x16xf32, #tpu.memory_space<hbm>>
        tpu.enqueue_dma source(%dma_start3A_23 : memref<392x16xf32, #tpu.memory_space<hbm>>) target(%dma_start3A_21 : memref<392x16xf32, #tpu.memory_space<vmem>>) target_semaphore(%run_scoped3A : memref<!tpu.dma_semaphore, #tpu.memory_space<semaphore_mem>>)
        %dma_wait3A = arith.constant 0 : i32
        %dma_wait3A_24 = arith.constant 0 : i32
        %dma_wait3A_25 = tpu.memref_slice %arg4[%dma_wait3A, %dma_wait3A_24] : memref<392x16xf32, #tpu.memory_space<vmem>> -> memref<392x16xf32, #tpu.memory_space<vmem>>
        %dma_wait3A_26 = arith.constant 0 : i32
        %dma_wait3A_27 = tpu.memref_slice %arg2[%multiple_of3A, %dma_wait3A_26] : memref<12500x16xf32, #tpu.memory_space<hbm>> -> memref<392x16xf32, #tpu.memory_space<hbm>>
        %dma_wait3A_28 = arith.constant 0 : i32
        %dma_wait3A_29 = arith.constant 0 : i32
        %dma_wait3A_30 = tpu.memref_slice %arg4[%dma_wait3A_28, %dma_wait3A_29] : memref<392x16xf32, #tpu.memory_space<vmem>> -> memref<392x16xf32, #tpu.memory_space<vmem>>
        %dma_wait3A_31 = arith.constant 0 : i32
        %dma_wait3A_32 = tpu.memref_slice %arg2[%multiple_of3A, %dma_wait3A_31] : memref<12500x16xf32, #tpu.memory_space<hbm>> -> memref<392x16xf32, #tpu.memory_space<hbm>>
        tpu.wait_dma2 semaphore(%run_scoped3A : memref<!tpu.dma_semaphore, #tpu.memory_space<semaphore_mem>>) src(%dma_wait3A_32 : memref<392x16xf32, #tpu.memory_space<hbm>>) dst(%dma_wait3A_30 : memref<392x16xf32, #tpu.memory_space<vmem>>)
        tpu.yield
      }) : () -> ()
      %scan3A = arith.constant 0 : i32
      %scan3A_9 = arith.constant 0 : i32
      %scan3A_10 = arith.constant 392 : i32
      %scan3A_11 = arith.addi %scan3A_9, %scan3A_10 : i32
      %scan3A_12 = arith.constant 1 : i32
      %scan3A_13 = scf.for %scan3A_15 = %scan3A_9 to %scan3A_11 step %scan3A_12 iter_args(%scan3A_16 = %scan3A) -> (i32)  : i32 {
        %get3A = arith.index_cast %scan3A_15 : i32 to index
        %get3A_17 = arith.constant 0 : index
        %get3A_18 = tpu.vector_load %arg4[%get3A, %get3A_17] {strides = array<i32>} : memref<392x16xf32, #tpu.memory_space<vmem>>, vector<1x16xf32>,
        %get3A_19 = vector.shape_cast %get3A_18 : vector<1x16xf32> to vector<16xf32>
        %mul3A_20 = arith.constant -1.000000e-01 : f32
        %mul3A_21 = vector.broadcast %mul3A_20 : f32 to vector<16xf32>
        %mul3A_22 = arith.mulf %get3A_19, %mul3A_21 : vector<16xf32>
        %swap3A = arith.index_cast %scan3A_15 : i32 to index
        %swap3A_23 = arith.constant 0 : index
        %swap3A_24 = tpu.vector_load %arg4[%swap3A, %swap3A_23] {strides = array<i32>} : memref<392x16xf32, #tpu.memory_space<vmem>>, vector<1x16xf32>,
        %swap3A_25 = vector.shape_cast %swap3A_24 : vector<1x16xf32> to vector<16xf32>
        %swap3A_26 = vector.shape_cast %mul3A_22 : vector<16xf32> to vector<1x16xf32>
        tpu.vector_store %arg4[%swap3A, %swap3A_23], %swap3A_26 {strides = array<i32>} : memref<392x16xf32, #tpu.memory_space<vmem>>, vector<1x16xf32>,
        %scan3A_27 = arith.constant 0 : i32
        scf.yield %scan3A_27 : i32
      }
      %scan3A_14 = arith.constant 392 : i32
      "tpu.region"() ({
        %run_scoped3A = tpu.sem_alloc : memref<!tpu.dma_semaphore, #tpu.memory_space<semaphore_mem>>
        %dma_start3A = arith.constant 0 : i32
        %dma_start3A_15 = arith.constant 0 : i32
        %dma_start3A_16 = tpu.memref_slice %arg4[%dma_start3A, %dma_start3A_15] : memref<392x16xf32, #tpu.memory_space<vmem>> -> memref<392x16xf32, #tpu.memory_space<vmem>>
        %dma_start3A_17 = arith.constant 0 : i32
        %dma_start3A_18 = tpu.memref_slice %arg3[%multiple_of3A, %dma_start3A_17] : memref<12500x16xf32, #tpu.memory_space<hbm>> -> memref<392x16xf32, #tpu.memory_space<hbm>>
        %dma_start3A_19 = arith.constant 0 : i32
        %dma_start3A_20 = tpu.memref_slice %arg3[%multiple_of3A, %dma_start3A_19] : memref<12500x16xf32, #tpu.memory_space<hbm>> -> memref<392x16xf32, #tpu.memory_space<hbm>>
        %dma_start3A_21 = arith.constant 0 : i32
        %dma_start3A_22 = arith.constant 0 : i32
        %dma_start3A_23 = tpu.memref_slice %arg4[%dma_start3A_21, %dma_start3A_22] : memref<392x16xf32, #tpu.memory_space<vmem>> -> memref<392x16xf32, #tpu.memory_space<vmem>>
        tpu.enqueue_dma source(%dma_start3A_23 : memref<392x16xf32, #tpu.memory_space<vmem>>) target(%dma_start3A_20 : memref<392x16xf32, #tpu.memory_space<hbm>>) target_semaphore(%run_scoped3A : memref<!tpu.dma_semaphore, #tpu.memory_space<semaphore_mem>>)
        %dma_wait3A = arith.constant 0 : i32
        %dma_wait3A_24 = arith.constant 0 : i32
        %dma_wait3A_25 = tpu.memref_slice %arg4[%dma_wait3A, %dma_wait3A_24] : memref<392x16xf32, #tpu.memory_space<vmem>> -> memref<392x16xf32, #tpu.memory_space<vmem>>
        %dma_wait3A_26 = arith.constant 0 : i32
        %dma_wait3A_27 = tpu.memref_slice %arg3[%multiple_of3A, %dma_wait3A_26] : memref<12500x16xf32, #tpu.memory_space<hbm>> -> memref<392x16xf32, #tpu.memory_space<hbm>>
        %dma_wait3A_28 = arith.constant 0 : i32
        %dma_wait3A_29 = tpu.memref_slice %arg3[%multiple_of3A, %dma_wait3A_28] : memref<12500x16xf32, #tpu.memory_space<hbm>> -> memref<392x16xf32, #tpu.memory_space<hbm>>
        %dma_wait3A_30 = arith.constant 0 : i32
        %dma_wait3A_31 = arith.constant 0 : i32
        %dma_wait3A_32 = tpu.memref_slice %arg4[%dma_wait3A_30, %dma_wait3A_31] : memref<392x16xf32, #tpu.memory_space<vmem>> -> memref<392x16xf32, #tpu.memory_space<vmem>>
        tpu.wait_dma2 semaphore(%run_scoped3A : memref<!tpu.dma_semaphore, #tpu.memory_space<semaphore_mem>>) src(%dma_wait3A_32 : memref<392x16xf32, #tpu.memory_space<vmem>>) dst(%dma_wait3A_29 : memref<392x16xf32, #tpu.memory_space<hbm>>)
        tpu.yield
      }) : () -> ()
    } else {
    }
    %ge3A = arith.constant 31 : i32
    %ge3A_5 = arith.cmpi sge, %add3A, %ge3A : i32
    %convert_element_type3A_6 = arith.extui %ge3A_5 : i1 to i32
    %cond3A_7 = arith.constant 0 : i32
    %cond3A_8 = arith.cmpi ne, %convert_element_type3A_6, %cond3A_7 : i32
    scf.if %cond3A_8 {
      "tpu.region"() ({
        %run_scoped3A = tpu.sem_alloc : memref<!tpu.dma_semaphore, #tpu.memory_space<semaphore_mem>>
        %dma_start3A = arith.constant 0 : i32
        %dma_start3A_15 = arith.constant 0 : i32
        %dma_start3A_16 = tpu.memref_slice %arg4[%dma_start3A, %dma_start3A_15] : memref<392x16xf32, #tpu.memory_space<vmem>> -> memref<348x16xf32, #tpu.memory_space<vmem>>
        %dma_start3A_17 = arith.constant 0 : i32
        %dma_start3A_18 = tpu.memref_slice %arg2[%multiple_of3A, %dma_start3A_17] : memref<12500x16xf32, #tpu.memory_space<hbm>> -> memref<348x16xf32, #tpu.memory_space<hbm>>
        %dma_start3A_19 = arith.constant 0 : i32
        %dma_start3A_20 = arith.constant 0 : i32
        %dma_start3A_21 = tpu.memref_slice %arg4[%dma_start3A_19, %dma_start3A_20] : memref<392x16xf32, #tpu.memory_space<vmem>> -> memref<348x16xf32, #tpu.memory_space<vmem>>
        %dma_start3A_22 = arith.constant 0 : i32
        %dma_start3A_23 = tpu.memref_slice %arg2[%multiple_of3A, %dma_start3A_22] : memref<12500x16xf32, #tpu.memory_space<hbm>> -> memref<348x16xf32, #tpu.memory_space<hbm>>
        tpu.enqueue_dma source(%dma_start3A_23 : memref<348x16xf32, #tpu.memory_space<hbm>>) target(%dma_start3A_21 : memref<348x16xf32, #tpu.memory_space<vmem>>) target_semaphore(%run_scoped3A : memref<!tpu.dma_semaphore, #tpu.memory_space<semaphore_mem>>)
        %dma_wait3A = arith.constant 0 : i32
        %dma_wait3A_24 = arith.constant 0 : i32
        %dma_wait3A_25 = tpu.memref_slice %arg4[%dma_wait3A, %dma_wait3A_24] : memref<392x16xf32, #tpu.memory_space<vmem>> -> memref<348x16xf32, #tpu.memory_space<vmem>>
        %dma_wait3A_26 = arith.constant 0 : i32
        %dma_wait3A_27 = tpu.memref_slice %arg2[%multiple_of3A, %dma_wait3A_26] : memref<12500x16xf32, #tpu.memory_space<hbm>> -> memref<348x16xf32, #tpu.memory_space<hbm>>
        %dma_wait3A_28 = arith.constant 0 : i32
        %dma_wait3A_29 = arith.constant 0 : i32
        %dma_wait3A_30 = tpu.memref_slice %arg4[%dma_wait3A_28, %dma_wait3A_29] : memref<392x16xf32, #tpu.memory_space<vmem>> -> memref<348x16xf32, #tpu.memory_space<vmem>>
        %dma_wait3A_31 = arith.constant 0 : i32
        %dma_wait3A_32 = tpu.memref_slice %arg2[%multiple_of3A, %dma_wait3A_31] : memref<12500x16xf32, #tpu.memory_space<hbm>> -> memref<348x16xf32, #tpu.memory_space<hbm>>
        tpu.wait_dma2 semaphore(%run_scoped3A : memref<!tpu.dma_semaphore, #tpu.memory_space<semaphore_mem>>) src(%dma_wait3A_32 : memref<348x16xf32, #tpu.memory_space<hbm>>) dst(%dma_wait3A_30 : memref<348x16xf32, #tpu.memory_space<vmem>>)
        tpu.yield
      }) : () -> ()
      %scan3A = arith.constant 0 : i32
      %scan3A_9 = arith.constant 0 : i32
      %scan3A_10 = arith.constant 348 : i32
      %scan3A_11 = arith.addi %scan3A_9, %scan3A_10 : i32
      %scan3A_12 = arith.constant 1 : i32
      %scan3A_13 = scf.for %scan3A_15 = %scan3A_9 to %scan3A_11 step %scan3A_12 iter_args(%scan3A_16 = %scan3A) -> (i32)  : i32 {
        %get3A = arith.index_cast %scan3A_15 : i32 to index
        %get3A_17 = arith.constant 0 : index
        %get3A_18 = tpu.vector_load %arg4[%get3A, %get3A_17] {strides = array<i32>} : memref<392x16xf32, #tpu.memory_space<vmem>>, vector<1x16xf32>,
        %get3A_19 = vector.shape_cast %get3A_18 : vector<1x16xf32> to vector<16xf32>
        %mul3A_20 = arith.constant -1.000000e-01 : f32
        %mul3A_21 = vector.broadcast %mul3A_20 : f32 to vector<16xf32>
        %mul3A_22 = arith.mulf %get3A_19, %mul3A_21 : vector<16xf32>
        %swap3A = arith.index_cast %scan3A_15 : i32 to index
        %swap3A_23 = arith.constant 0 : index
        %swap3A_24 = tpu.vector_load %arg4[%swap3A, %swap3A_23] {strides = array<i32>} : memref<392x16xf32, #tpu.memory_space<vmem>>, vector<1x16xf32>,
        %swap3A_25 = vector.shape_cast %swap3A_24 : vector<1x16xf32> to vector<16xf32>
        %swap3A_26 = vector.shape_cast %mul3A_22 : vector<16xf32> to vector<1x16xf32>
        tpu.vector_store %arg4[%swap3A, %swap3A_23], %swap3A_26 {strides = array<i32>} : memref<392x16xf32, #tpu.memory_space<vmem>>, vector<1x16xf32>,
        %scan3A_27 = arith.constant 0 : i32
        scf.yield %scan3A_27 : i32
      }
      %scan3A_14 = arith.constant 348 : i32
      "tpu.region"() ({
        %run_scoped3A = tpu.sem_alloc : memref<!tpu.dma_semaphore, #tpu.memory_space<semaphore_mem>>
        %dma_start3A = arith.constant 0 : i32
        %dma_start3A_15 = arith.constant 0 : i32
        %dma_start3A_16 = tpu.memref_slice %arg4[%dma_start3A, %dma_start3A_15] : memref<392x16xf32, #tpu.memory_space<vmem>> -> memref<348x16xf32, #tpu.memory_space<vmem>>
        %dma_start3A_17 = arith.constant 0 : i32
        %dma_start3A_18 = tpu.memref_slice %arg3[%multiple_of3A, %dma_start3A_17] : memref<12500x16xf32, #tpu.memory_space<hbm>> -> memref<348x16xf32, #tpu.memory_space<hbm>>
        %dma_start3A_19 = arith.constant 0 : i32
        %dma_start3A_20 = tpu.memref_slice %arg3[%multiple_of3A, %dma_start3A_19] : memref<12500x16xf32, #tpu.memory_space<hbm>> -> memref<348x16xf32, #tpu.memory_space<hbm>>
        %dma_start3A_21 = arith.constant 0 : i32
        %dma_start3A_22 = arith.constant 0 : i32
        %dma_start3A_23 = tpu.memref_slice %arg4[%dma_start3A_21, %dma_start3A_22] : memref<392x16xf32, #tpu.memory_space<vmem>> -> memref<348x16xf32, #tpu.memory_space<vmem>>
        tpu.enqueue_dma source(%dma_start3A_23 : memref<348x16xf32, #tpu.memory_space<vmem>>) target(%dma_start3A_20 : memref<348x16xf32, #tpu.memory_space<hbm>>) target_semaphore(%run_scoped3A : memref<!tpu.dma_semaphore, #tpu.memory_space<semaphore_mem>>)
        %dma_wait3A = arith.constant 0 : i32
        %dma_wait3A_24 = arith.constant 0 : i32
        %dma_wait3A_25 = tpu.memref_slice %arg4[%dma_wait3A, %dma_wait3A_24] : memref<392x16xf32, #tpu.memory_space<vmem>> -> memref<348x16xf32, #tpu.memory_space<vmem>>
        %dma_wait3A_26 = arith.constant 0 : i32
        %dma_wait3A_27 = tpu.memref_slice %arg3[%multiple_of3A, %dma_wait3A_26] : memref<12500x16xf32, #tpu.memory_space<hbm>> -> memref<348x16xf32, #tpu.memory_space<hbm>>
        %dma_wait3A_28 = arith.constant 0 : i32
        %dma_wait3A_29 = tpu.memref_slice %arg3[%multiple_of3A, %dma_wait3A_28] : memref<12500x16xf32, #tpu.memory_space<hbm>> -> memref<348x16xf32, #tpu.memory_space<hbm>>
        %dma_wait3A_30 = arith.constant 0 : i32
        %dma_wait3A_31 = arith.constant 0 : i32
        %dma_wait3A_32 = tpu.memref_slice %arg4[%dma_wait3A_30, %dma_wait3A_31] : memref<392x16xf32, #tpu.memory_space<vmem>> -> memref<348x16xf32, #tpu.memory_space<vmem>>
        tpu.wait_dma2 semaphore(%run_scoped3A : memref<!tpu.dma_semaphore, #tpu.memory_space<semaphore_mem>>) src(%dma_wait3A_32 : memref<348x16xf32, #tpu.memory_space<vmem>>) dst(%dma_wait3A_29 : memref<348x16xf32, #tpu.memory_space<hbm>>)
        tpu.yield
      }) : () -> ()
    } else {
    }
    return
  }
}

</mosaic_0001>

<sc_bundles>
// kernel: kernel.3.cloned.1.call-start
scs
__scs_entry_jumppad:
0x0: {  	(pc) =	sbr.rel $0x88, $3  }
0x1: {  	(tag) =	ssettag $0x0;
	lr =	simm.s32 $0x1  }
0x2: {  	[smem:$0x3FA0] =	sst lr;
	_ =	strace $0xD0000000  }
0x3: {  	_ = 	snop  }
0x4: {  	_ = 	snop  }
0x5: {  	_ = 	snop  }
0x6: {  	_ = 	snop  }
0x7: {  	_ = 	snop  }
__scs_overlays_trampoline_lowered:
0x8: {  	[smem:$0x3FAF] =	sst s0  }
0x9: {  	[smem:$0x3FB0] =	sst s1  }
0xa: {  	[smem:$0x3FB1] =	sst s2  }
0xb: {  	[smem:$0x3FB2] =	sst s3  }
0xc: {  	[smem:$0x3FB3] =	sst s4  }
0xd: {  	[smem:$0x3FB4] =	sst s5  }
0xe: {  	[smem:$0x3FB5] =	sst s6  }
0xf: {  	[smem:$0x3FB6] =	sst s7  }
0x10: {  	[smem:$0x3FB7] =	sst s8  }
0x11: {  	[smem:$0x3FB8] =	sst s9;
	s0 =	simm.s32 @!p0 $0x0  }
0x12: {  	s1 =	sld [smem:$0x3F9E];
	s0 =	simm.s32 @p0 $0x1  }
0x13: {  	[smem:$0x3FB9] =	sst s0;
	s0 =	simm.s32 @!p1 $0x0  }
0x14: {  	s2 =	sld [smem:$0x3F9D];
	s0 =	simm.s32 @p1 $0x1  }
0x15: {  	[smem:$0x3FBA] =	sst s0;
	s0 =	simm.s32 @!p2 $0x0  }
0x16: {  	s3 =	sld [smem:$0x3FDB];
	s0 =	simm.s32 @p2 $0x1  }
0x17: {  	s4 =	simm.s32 $0x1BF5;
	[smem:$0x3FBC] =	sst s0  }
0x18: {  	s0 =	sld [smem:$0x3F9F];
	_ =	swait.ge [sflag:s4], $0x0  }
0x19: {  	s7 =	sld [smem:$0x3FA0]  }
0x1a: {  	s8 =	sadd.s32 $0xFFFFE003, lr  }
0x1b: {  	s9 =	sadd.s32 $0xFFFFFEF7, lr;
	s5 =	simm.s32 $0xFFFFFFFF;
	p2 =	slt.u32 s8, $0xFFFFF086  }
0x1c: {  	p1 =	slt.u32 s9, $0xF7A;
	s5 =	simm.s32 @!p2 $0x0  }
0x1d: {  	s5 =	simm.s32 @p1 $0x1;
	p0 =	seq.s32 s7, s2  }
0x1e: {  	s7 =	smul.u32 @!p0 $0xF7A, s2;
	p2 =	seq.s32 @!p0 s5, $0x0  }
0x1f: {  	s9 =	smul.u32 $0xF7A, s1;
	s8 =	simm.s32 @!p0 $0x1BF5;
	p2 =	por !p2, p0  }
0x20: {  	[sflag:s8] =	ssyncset.s32 @!p0 $0xFFFFF086;
	s6 =	sadd.s32 @!p0 s3, s7;
	s7 =	simm.s32 @!p0 $0x108  }
0x21: {  	s3 =	sadd.s32 s3, s9;
	s6 =	sadd.s32 @!p0 $0x88, s6;
	s7 =	simm.s32 @p2 $0x1082  }
0x22: {  	[simem:s7], [sflag:s8] =	dma.local @!p0 [hbm:s6], $0xF7A  }
0x23: {  	s9 =	sor.u32 $0xD0000000, s2;
	s6 =	simm.s32 $0x108;
	_ =	swait.ge @!p0 [sflag:s8], $0x0  }
0x24: {  	s3 =	sadd.s32 $0x88, s3;
	s6 =	simm.s32 @!p1 $0x1082;
	[sflag:s4] =	ssyncset.s32 $0xFFFFF086  }
0x25: {  	[simem:s6], [sflag:s4] =	dma.local [hbm:s3], $0xF7A  }
0x26: {  	[smem:$0x3FA0] =	sst s1;
	(tag) =	ssettag s2;
	_ =	strace s9  }
0x27: {  	s1 =	sld [smem:$0x3FB0]  }
0x28: {  	s2 =	sld [smem:$0x3FB1]  }
0x29: {  	s4 =	sld [smem:$0x3FB3]  }
0x2a: {  	p0 =	seq.s32 s5, $0x0;
	s5 =	sld [smem:$0x3FB4]  }
0x2b: {  	s6 =	sld [smem:$0x3FB5]  }
0x2c: {  	s7 =	sld [smem:$0x3FB6]  }
0x2d: {  	s3 =	simm.s32 $0x108;
	s8 =	sld [smem:$0x3FB7]  }
0x2e: {  	s3 =	simm.s32 @!p0 $0x1082;
	s9 =	sld [smem:$0x3FB8]  }
0x2f: {  	lr =	sadd.s32 s0, s3;
	s0 =	sld [smem:$0x3FAF]  }
0x30: {  	s3 =	sld [smem:$0x3FB2]  }
0x31: {  	[smem:$0x3FBB] =	sst s10  }
0x32: {  	s10 =	sld [smem:$0x3FB9];
	_ =	sdelay $0x3  }
0x33: {  	p0 =	seq.s32 s10, $0x1;
	s10 =	sld [smem:$0x3FBB];
	_ =	sdelay $0x3  }
0x34: {  	[smem:$0x3FBB] =	sst s10  }
0x35: {  	s10 =	sld [smem:$0x3FBA];
	_ =	sdelay $0x3  }
0x36: {  	p1 =	seq.s32 s10, $0x1;
	s10 =	sld [smem:$0x3FBB];
	_ =	sdelay $0x3  }
0x37: {  	[smem:$0x3FBB] =	sst s10  }
0x38: {  	s10 =	sld [smem:$0x3FBC]  }
0x39: {  	_ = 	snop;
	(pc) =	sbr.ind lr, $3  }
0x3a: {  	_ = 	snop  }
0x3b: {  	_ = 	snop  }
0x3c: {  	p2 =	seq.s32 s10, $0x1;
	s10 =	sld [smem:$0x3FBB]  }
0x3d: {  	_ =	shalt  }
0x3e: {  	_ =	shalt  }
0x3f: {  	_ =	shalt  }
0x40: {  	_ =	shalt  }
0x41: {  	_ =	shalt  }
0x42: {  	_ =	shalt  }
0x43: {  	_ =	shalt  }
0x44: {  	_ =	shalt  }
0x45: {  	_ =	shalt  }
0x46: {  	_ =	shalt  }
0x47: {  	_ =	shalt  }
0x48: {  	_ =	shalt  }
0x49: {  	_ =	shalt  }
0x4a: {  	_ =	shalt  }
0x4b: {  	_ =	shalt  }
0x4c: {  	_ =	shalt  }
0x4d: {  	_ =	shalt  }
0x4e: {  	_ =	shalt  }
0x4f: {  	_ =	shalt  }
0x50: {  	_ =	shalt  }
0x51: {  	_ =	shalt  }
0x52: {  	_ =	shalt  }
0x53: {  	_ =	shalt  }
0x54: {  	_ =	shalt  }
0x55: {  	_ =	shalt  }
0x56: {  	_ =	shalt  }
0x57: {  	_ =	shalt  }
0x58: {  	_ =	shalt  }
0x59: {  	_ =	shalt  }
0x5a: {  	_ =	shalt  }
0x5b: {  	_ =	shalt  }
0x5c: {  	_ =	shalt  }
0x5d: {  	_ =	shalt  }
0x5e: {  	_ =	shalt  }
0x5f: {  	_ =	shalt  }
0x60: {  	_ =	shalt  }
0x61: {  	_ =	shalt  }
0x62: {  	_ =	shalt  }
0x63: {  	_ =	shalt  }
0x64: {  	_ =	shalt  }
0x65: {  	_ =	shalt  }
0x66: {  	_ =	shalt  }
0x67: {  	_ =	shalt  }
0x68: {  	_ =	shalt  }
0x69: {  	_ =	shalt  }
0x6a: {  	_ =	shalt  }
0x6b: {  	_ =	shalt  }
0x6c: {  	_ =	shalt  }
0x6d: {  	_ =	shalt  }
0x6e: {  	_ =	shalt  }
0x6f: {  	_ =	shalt  }
0x70: {  	_ =	shalt  }
0x71: {  	_ =	shalt  }
0x72: {  	_ =	shalt  }
0x73: {  	_ =	shalt  }
0x74: {  	_ =	shalt  }
0x75: {  	_ =	shalt  }
0x76: {  	_ =	shalt  }
0x77: {  	_ =	shalt  }
0x78: {  	_ =	shalt  }
0x79: {  	_ =	shalt  }
0x7a: {  	_ =	shalt  }
0x7b: {  	_ =	shalt  }
0x7c: {  	_ =	shalt  }
0x7d: {  	_ =	shalt  }
0x7e: {  	_ =	shalt  }
0x7f: {  	_ =	shalt  }
0x80: {  	_ =	shalt  }
0x81: {  	_ =	shalt  }
0x82: {  	_ =	shalt  }
0x83: {  	_ =	shalt  }
0x84: {  	_ =	shalt  }
0x85: {  	_ =	shalt  }
0x86: {  	_ =	shalt  }
0x87: {  	_ =	shalt  }
.Lfunc_end0:
.L_simem_size_0:
called_computation_lowered:
.L_overlay_start_0:
0x88: {  	s2 =	sld [smem:$0x3FD9]  }
0x89: {  	s3 =	sld [smem:$0x3FFE];
	_ =	sdelay $0x1  }
0x8a: {  	s1 =	srdreg.scid  }
0x8b: {  	s0 =	sand.u32 $0x1, s1  }
0x8c: {  	s16 =	sshll.u32 s0, $0xA;
	s2 =	sadd.s32 s3, s2  }
0x8d: {  	s2 =	sadd.s32 s2, s16  }
0x8e: {  	[smem:$0x3FC7] =	sst s2  }
0x8f: {  	_ = 	snop  }
0x90: {  	(tm) =	ssettm $0x1  }
0x91: {  	s17 =	sld [smem:$0x3FFB];
	_ =	sdelay $0x3  }
0x92: {  	_ =	strace s17  }
0x93: {  	s2 =	sld [smem:$0x3FFC];
	_ =	sdelay $0x3  }
0x94: {  	_ =	strace s2  }
0x95: {  	s2 =	sld [smem:$0x3FFD];
	_ =	sdelay $0x3  }
0x96: {  	_ =	strace s2  }
0x97: {  	_ =	strace $0x8FFFFFFF  }
0x98: {  	s18 =	sld [smem:$0x3FDB];
	_ =	sdelay $0x1  }
0x99: {  	s19 =	simm.s32 $_scs_section_size  }
0x9a: {  	s4 =	simm.s32 $_size__tile_overlayer_lowered;
	s5 =	simm.s32 $_tile_overlayer_lowered  }
0x9b: {  	s22 =	simm.s32 $0x1BFF;
	s21 =	sshll.u32 s5, $0x1;
	s2 =	sadd.s32 s19, s18  }
0x9c: {  	s6 =	simm.s32 $0x0;
	s20 =	sshll.u32 s4, $0x1;
	s4 =	sadd.s32 s21, s2  }
0x9d: {  	[timem:s6], [sflag:s22] =	dma.local [hbm:s4], s20  }
0x9e: {  	_ =	swait.ge [sflag:s22], s20  }
0x9f: {  	s3 =	ssub.s32 $0x0, s20;
	[sflag:s22] =	ssyncset.done $0x0  }
0xa0: {  	[sflag:s22] =	ssyncadd.s32 s3;
	_ =	sdelay $0x1  }
0xa1: {  	s23 =	simm.s32 $0x1B8B  }
0xa2: {  	_ =	swait.ge [sflag:s23], $0x1  }
0xa3: {  	[sflag:s23] =	ssyncset.done $0x0  }
0xa4: {  	s25 =	simm.s32 $0x1B8E;
	s24 =	sld [smem:$0x3FFE];
	[sflag:s23] =	ssyncadd.s32 $0xFFFFFFFF  }
0xa5: {  	s26 =	simm.s32 $execute0_lowered;
	[smem:$0x3FD2] =	sst s25  }
0xa6: {  	s4 =	sshll.u32 s26, $0x1;
	_ =	strace $0x80000046;
	[dreg:$0x1] =	wrdreg $0xFFFFFFFF  }
0xa7: {  	s28 =	simm.s32 $_size_execute0_lowered;
	s2 =	sadd.s32 s2, s4;
	[dreg:$0x0] =	wrdreg $0x0  }
0xa8: {  	s4 =	sshll.u32 s28, $0x1;
	[dreg:$0x2] =	wrdreg s2  }
0xa9: {  	[dreg:$0x3] =	wrdreg s4  }
0xaa: {  	[dreg:$0x4] =	wrdreg $0xC0  }
0xab: {  	_ =	task [dreg:s6], $0x5FFFF  }
0xac: {  	[dreg:$0x1] =	wrdreg $0xFFFFFFFF  }
0xad: {  	[dreg:$0x0] =	wrdreg $0x60  }
0xae: {  	[dreg:$0x2] =	wrdreg s24  }
0xaf: {  	[dreg:$0x3] =	wrdreg $0x9  }
0xb0: {  	_ =	task.clear_ibuf [dreg:s6], $0x4FFFF;
	_ =	strace $0x90000046  }
0xb1: {  	s29 =	simm.s32 $0x9;
	_ =	strace $0x80000048  }
0xb2: {  	_ =	swait.ge [sflag:s29], $0x1  }
0xb3: {  	[sflag:s29] =	ssyncadd.s32 $0xFFFFFFFF  }
0xb4: {  	_ =	strace $0x90000048  }
0xb5: {  	_ =	sfence  }
0xb6: {  	s30 =	sld [smem:$0x0];
	_ =	sdelay $0x2  }
0xb7: {  	s31 =	sshll.u32 s1, $0xD;
	s1 =	sshrl.u32 s1, $0x2  }
0xb8: {  	s3 =	sand.u32 $0x4000, s31;
	s1 =	sadd.s32 s1, s30  }
0xb9: {  	s0 =	sor.u32 s3, s0;
	s1 =	sshll.u32 s1, $0x11  }
0xba: {  	s0 =	sor.u32 s1, s0  }
0xbb: {  	s0 =	sadd.s32 $0x8F2B, s0  }
0xbc: {  	[sflag:s0] =	ssyncadd.remote.s32 $0x1  }
0xbd: {  	_ =	sfence.sel $0xFFFF  }
0xbe: {  	[dreg:$0x0] =	wrdreg $0xFFFFFFFF;
	(pc) =	sbr.abs _section_cstart, $3  }
0xbf: {  	[dreg:$0x1] =	wrdreg $0xFFFFFFFF  }
0xc0: {  	_ =	task.clear_ibuf [dreg:s6], $0x2FFFF;
	_ =	strace $0x9FFFFFFF  }
0xc1: {  	(tm) =	ssettm $0x7FFFFFFF  }
tec
execute0_lowered:
.L_overlay_start_1:
0x0: {  	(tag) =	ssettag $0x1  }
0x1: {  	s1 =	srdreg.scid  }
0x2: {  	s0 =	stileid.u32;
	s6 =	rddreg [dreg:$0x0]  }
0x3: {  	s2 =	simm.s32 $0x0;
	s3 =	sand.u32 $0x1, s1;
	s1 =	rddreg [dreg:$0x1]  }
0x4: {  	s9 =	simm.s32 $0x0;
	s31 =	sshll.u32 s0, $0x1;
	[smem:$0x7FF] =	sst s2  }
.Ltmp0:
0x5: {  	s8 =	sor.u32 s3, s31;
	s3 =	ssub.s32 $0x2, s3;
	(pc) =	sbr.rel .LBB2_1-.Ltmp0, $4  }
0x6: {  	_ =	strace $0x80000047;
	s4 =	smul.u32 $0x310, s8;
	s5 =	sshrl.u32 s3, $0x1  }
0x7: {  	p0 =	seq.s32 s8, $0x1F;
	s8 =	simm.s32 $0x1;
	s7 =	ssub.s32 s3, s5  }
0x8: {  	s5 =	sadd.s32 $0x18CCF0, s6;
	s4 =	sadd.s32 s4, s6;
	s6 =	sadd.s32 $0x62F0, s6  }
0x9: {  	s7 =	smax.u32 s7, $0x1;
	s3 =	sadd.s32 $0x186E00, s4;
	s4 =	sadd.s32 $0x400, s4  }
.LBB2_7:
0xa: {  	v0 =	vld [tilespmem:s10+$0x0];
	_ =	sdelay $0x4  }
0xb: {  	v0 =	vmul.f32 $-1.000000010e-01, v0;
	_ =	sdelay $0x1  }
0xc: {  	[tilespmem:s10+$0x0] =	vst v0  }
0xd: {  	[hbm4b:s6+s2] =	stream.linear.scatter [tilespmem:s2], [sflag:$0x1], $0x15C0, $0x38;
	[tilespmem:$0x1880] =	vst v63  }
0xe: {  	_ =	swait.ge [sflag:s8], $0x15C0  }
0xf: {  	[sflag:s8] =	ssyncset.done $0x0  }
0x10: {  	[sflag:s8] =	ssyncadd.s32 $0xFFFFEA40  }
.LBB2_8:
0x11: {  	s9 =	sadd.s32 $0x1, s9  }
0x12: {  	p1 =	sne.s32 s9, s7  }
.Ltmp1:
0x13: {  	_ = 	snop;
	(pc) =	sbr.rel @!p1 .LBB2_9-.Ltmp1, $1  }
0x14: {  	_ =	sdelay $0x3  }
.LBB2_1:
.Ltmp2:
0x15: {  	(pc) =	sbr.rel @!p0 .LBB2_2-.Ltmp2, $2  }
0x16: {  	_ =	sdelay $0x2  }
0x17: {  	s10 =	simm.s32 $0x0  }
0x18: {  	[tilespmem:s10], [sflag:$0x1] =	stream.linear.gather [hbm4b:s5+s10], $0x15C0, $0x38;
	[tilespmem:$0x1880] =	vst v63  }
0x19: {  	_ =	swait.ge [sflag:s8], $0x15C0  }
0x1a: {  	[sflag:s8] =	ssyncset.done $0x0  }
0x1b: {  	s10 =	simm.s32 $0x0;
	s11 =	simm.s32 $0x40;
	[sflag:s8] =	ssyncadd.s32 $0xFFFFEA40  }
.LBB2_6:
0x1c: {  	p1 =	sne.s32 s11, $0x56C0;
	v0 =	vld [tilespmem:s10+$0x0];
	_ =	sdelay $0x2  }
.Ltmp3:
0x1d: {  	(pc) =	sbr.rel @p1 .LBB2_6-.Ltmp3, $3  }
0x1e: {  	_ = 	snop  }
0x1f: {  	v0 =	vmul.f32 $-1.000000010e-01, v0;
	_ =	sdelay $0x1  }
0x20: {  	[tilespmem:s10+$0x0] =	vst v0;
	s10 =	sshra.s32 s11, $0x2;
	s11 =	sadd.s32 $0x40, s11  }
.Ltmp4:
0x21: {  	_ = 	snop;
	(pc) =	sbr.rel .LBB2_7-.Ltmp4, $1  }
0x22: {  	_ =	sdelay $0x3  }
.LBB2_2:
0x23: {  	[tilespmem:s10], [sflag:$0x1] =	stream.linear.gather [hbm4b:s3+s10], $0x1880, $0x38;
	[tilespmem:$0x1880] =	vst v63  }
0x24: {  	_ =	swait.ge [sflag:s8], $0x1880  }
0x25: {  	[sflag:s8] =	ssyncset.done $0x0  }
0x26: {  	s10 =	simm.s32 $0x0;
	s11 =	simm.s32 $0x40;
	[sflag:s8] =	ssyncadd.s32 $0xFFFFE780  }
.LBB2_3:
0x27: {  	p1 =	sne.s32 s11, $0x61C0;
	v0 =	vld [tilespmem:s10+$0x0];
	_ =	sdelay $0x2  }
.Ltmp5:
0x28: {  	(pc) =	sbr.rel @p1 .LBB2_3-.Ltmp5, $3  }
0x29: {  	_ = 	snop  }
0x2a: {  	v0 =	vmul.f32 $-1.000000010e-01, v0;
	_ =	sdelay $0x1  }
0x2b: {  	[tilespmem:s10+$0x0] =	vst v0;
	s10 =	sshra.s32 s11, $0x2;
	s11 =	sadd.s32 $0x40, s11  }
0x2c: {  	v0 =	vld [tilespmem:s10+$0x0];
	_ =	sdelay $0x4  }
0x2d: {  	v0 =	vmul.f32 $-1.000000010e-01, v0;
	_ =	sdelay $0x1  }
.Ltmp6:
0x2e: {  	[tilespmem:s10+$0x0] =	vst v0;
	(pc) =	sbr.rel .LBB2_8-.Ltmp6, $4  }
0x2f: {  	[hbm4b:s4+s2] =	stream.linear.scatter [tilespmem:s2], [sflag:$0x1], $0x1880, $0x38;
	[tilespmem:$0x1880] =	vst v63  }
0x30: {  	_ =	swait.ge [sflag:s8], $0x1880  }
0x31: {  	[sflag:s8] =	ssyncset.done $0x0  }
0x32: {  	[sflag:s8] =	ssyncadd.s32 $0xFFFFE780  }
.LBB2_9:
0x33: {  	_ =	sfence.sel $0x180000  }
0x34: {  	[bflag:$0x0] =	sbarrier.arrive $0xFFFF  }
0x35: {  	p0 =	sne.s32 s0, $0x0;
	_ =	strace $0x90000047  }
0x36: {  	s0 =	sadd.s32 @!p0 $0x100000, s1;
	[bflag:$0x2] =	sbarrier.arrive $0xFFFF  }
0x37: {  	[sflag:s0] =	ssyncadd.tile.s32 @!p0 $0x1;
	_ =	shalt  }
.Lfunc_end2:
_tile_overlayer_lowered:
.L_overlay_start_2:
0x38: {  	(tag) =	ssettag $0x2  }
0x39: {  	s0 =	rddreg [dreg:$0x0];
	s2 =	stileid.u32  }
0x3a: {  	s1 =	rddreg [dreg:$0x1];
	p0 =	sne.s32 s2, $0x0  }
0x3b: {  	s3 =	rddreg [dreg:$0x2];
	[bflag:$0x3] =	sbarrier.arrive $0xFFFF;
	s2 =	simm.s32 @!p0 $0x1C01  }
0x3c: {  	[timem:s3], [sflag:s2] =	dma.local @!p0 [hbm:s0], s1  }
0x3d: {  	s0 =	simm.s32 @!p0 $0x1  }
0x3e: {  	_ =	swait.ge @!p0 [sflag:s0], s1  }
0x3f: {  	s1 =	ssub.s32 @!p0 $0x0, s1;
	[sflag:s0] =	ssyncset.done @!p0 $0x0  }
0x40: {  	[sflag:s0] =	ssyncadd.s32 @!p0 s1  }
0x41: {  	[bflag:$0x3] =	sbarrier.arrive $0xFFFF  }
0x42: {  	_ =	shalt  }

</sc_bundles>
